<compile_context>
chip_gen: v7x
topology: tpu7x:2x2x1
jax: 0.10.2.dev20260603
libtpu: 0.0.44.dev20260713+nightly
codegen_flags: <defaults>
</compile_context>

<pallas_src>
import functools

import jax
import jax.numpy as jnp
from jax import lax
from jax.experimental import pallas as pl
from jax.experimental.pallas import tpu as pltpu
from jax.experimental.pallas import tpu_sc as plsc

@functools.lru_cache(maxsize=None)
def _sc_gather(B: int, num_steps: int):
    info = plsc.get_sparse_core_info()
    nc, ns, L = info.num_cores, info.num_subcores, info.num_lanes
    nw = nc * ns
    b_per_w = B // nw
    mesh = plsc.VectorSubcoreMesh(core_axis_name="c", subcore_axis_name="s")

    @functools.partial(
        pl.kernel,
        mesh=mesh,
        out_type=jax.ShapeDtypeStruct((2, B), jnp.float32),
        scratch_types=[
            pltpu.VMEM((2 * num_steps,), jnp.float32),
            pltpu.VMEM((b_per_w,), jnp.int32),
            pltpu.VMEM((b_per_w,), jnp.float32),
            pltpu.VMEM((b_per_w,), jnp.float32),
            pltpu.SemaphoreType.DMA,
            pltpu.SemaphoreType.DMA,
        ],
        compiler_params=pltpu.CompilerParams(needs_layout_passes=False),
    )
    def gather(t_hbm, sab_hbm, somab_hbm, out_hbm, tab_v, idx_v, sa_v, sb_v, s0, s1):
        wid = lax.axis_index("s") * nc + lax.axis_index("c")
        base = wid * b_per_w
        ca = pltpu.make_async_copy(sab_hbm, tab_v.at[pl.ds(0, num_steps)], s0)
        cb = pltpu.make_async_copy(somab_hbm, tab_v.at[pl.ds(num_steps, num_steps)], s0)
        cidx = pltpu.make_async_copy(t_hbm.at[pl.ds(base, b_per_w)], idx_v, s1)
        ca.start()
        cb.start()
        cidx.start()
        ca.wait()
        cb.wait()
        cidx.wait()
        for j in range(b_per_w // L):
            idx = idx_v[pl.ds(j * L, L)]
            idx = jnp.minimum(jnp.maximum(idx, 0), num_steps - 1)
            sa_v[pl.ds(j * L, L)] = plsc.load_gather(tab_v, [idx])
            sb_v[pl.ds(j * L, L)] = plsc.load_gather(tab_v, [idx + num_steps])
        ca = pltpu.make_async_copy(sa_v, out_hbm.at[0, pl.ds(base, b_per_w)], s0)
        cb = pltpu.make_async_copy(sb_v, out_hbm.at[1, pl.ds(base, b_per_w)], s1)
        ca.start()
        cb.start()
        ca.wait()
        cb.wait()

    return gather


def _tc_combine_body(sc_ref, x_ref, n_ref, o_ref):
    o_ref[...] = (sc_ref[0:1, :] * x_ref[...]
                  + sc_ref[1:2, :] * n_ref[...])


@functools.lru_cache(maxsize=None)
def _tc_combine(F: int, B: int, R: int):
    data = pl.BlockSpec((R, B), lambda i: (i, 0))
    scale = pl.BlockSpec((2, B), lambda i: (0, 0))
    shape = jax.ShapeDtypeStruct((F, B), jnp.float32)
    return pl.pallas_call(
        _tc_combine_body,
        grid=(F // R,),
        in_specs=[scale, data, data],
        out_specs=data,
        out_shape=shape,
    )


def kernel(x_start, noise, t, sqrt_alpha_bars, sqrt_one_minus_alpha_bars):
    B, C, H, W = x_start.shape
    F = C * H * W
    num_steps = sqrt_alpha_bars.shape[0]
    scales = _sc_gather(B, num_steps)(
        t, sqrt_alpha_bars, sqrt_one_minus_alpha_bars)
    xT = jnp.transpose(x_start, (1, 2, 3, 0)).reshape(F, B)
    nT = jnp.transpose(noise, (1, 2, 3, 0)).reshape(F, B)
    oT = _tc_combine(F, B, 1024)(scales, xT, nT)
    x_t = jnp.transpose(oT.reshape(C, H, W, B), (3, 0, 1, 2))
    return (x_t, noise)

# --- scband reference (transcript-rebuilt; emitter-appended) ---
"""Pipeline reference for scband-diffusion-schedule-33629593927795 (READ-ONLY COPY).

The authoritative reference and input builder live on the scoring server;
editing this copy changes nothing except your own understanding.
"""

import jax, jax.numpy as jnp
import numpy as np
import math

NUM_STEPS = 1000

def _build_schedule(schedule_type, beta_start, beta_end, num_steps):
    if schedule_type == 'linear':
        betas = np.linspace(beta_start, beta_end, num_steps, dtype=np.float64)
    elif schedule_type == 'cosine':
        steps = np.arange(num_steps + 1, dtype=np.float64) / num_steps
        s = 0.008
        alpha_bar = np.cos((steps * math.pi / 2 + s) / (1 + s)) ** 2
        betas = np.clip(1.0 - alpha_bar[1:] / alpha_bar[:-1], 1e-12, 0.999)
    else:
        raise ValueError(schedule_type)
    betas = betas.astype(np.float32)
    alphas = 1.0 - betas
    alpha_bars = np.cumprod(alphas.astype(np.float64)).astype(np.float32)
    sqrt_alpha_bars = np.sqrt(alpha_bars).astype(np.float32)
    sqrt_one_minus_alpha_bars = np.sqrt(1.0 - alpha_bars).astype(np.float32)
    return jnp.asarray(sqrt_alpha_bars), jnp.asarray(sqrt_one_minus_alpha_bars)


def setup_inputs(seed: int = 0) -> dict:
    key = jax.random.key(seed)
    k1, k2, k3 = jax.random.split(key, 3)
    B, C, H, W = 1024, 4, 64, 64
    x_start = jax.random.normal(k1, (B, C, H, W), dtype=jnp.float32)
    noise = jax.random.normal(k2, (B, C, H, W), dtype=jnp.float32)
    t = jax.random.randint(k3, (B,), 0, NUM_STEPS, dtype=jnp.int32)
    sab, somab = _build_schedule('cosine', 0.0001, 0.02, NUM_STEPS)
    return {
        'x_start': x_start,
        'noise': noise,
        't': t,
        'sqrt_alpha_bars': sab,
        'sqrt_one_minus_alpha_bars': somab,
    }


def _gather(buffer, t, target_ndim, num_steps):
    t_long = jnp.clip(t.astype(jnp.int32), 0, num_steps - 1)
    gathered = jnp.take(buffer, t_long, axis=-1)
    return gathered.reshape((t.shape[0],) + (1,) * (target_ndim - 1))


def reference(x_start, noise, t, sqrt_alpha_bars, sqrt_one_minus_alpha_bars):
    num_steps = sqrt_alpha_bars.shape[0]
    sqrt_alpha_bar_t = _gather(sqrt_alpha_bars, t, x_start.ndim, num_steps)
    sqrt_one_minus_alpha_bar_t = _gather(sqrt_one_minus_alpha_bars, t, x_start.ndim, num_steps)
    x_t = sqrt_alpha_bar_t * x_start + sqrt_one_minus_alpha_bar_t * noise
    return (x_t, noise)

if __name__ == "__main__":
    import jax
    _d = setup_inputs()
    print(jax.jit(kernel)(*tuple(_d.values())))

</pallas_src>

<mosaic_0001>
#map = affine_map<(d0, d1) -> (0)>
#map1 = affine_map<(d0, d1) -> (0, 0)>
module attributes {stable_mosaic.version = 14 : i64} {
  func.func @gather(%arg0: i32, %arg1: i32, %arg2: memref<1024xi32, #tpu.memory_space<hbm>>, %arg3: memref<1000xf32, #tpu.memory_space<hbm>>, %arg4: memref<1000xf32, #tpu.memory_space<hbm>>, %arg5: memref<2x1024xf32, #tpu.memory_space<hbm>>, %arg6: memref<2000xf32, #tpu.memory_space<vmem>>, %arg7: memref<32xi32, #tpu.memory_space<vmem>>, %arg8: memref<32xf32, #tpu.memory_space<vmem>>, %arg9: memref<32xf32, #tpu.memory_space<vmem>>, %arg10: memref<!tpu.dma_semaphore, #tpu.memory_space<semaphore_mem>>, %arg11: memref<!tpu.dma_semaphore, #tpu.memory_space<semaphore_mem>>) attributes {dimension_semantics = [#tpu.dimension_semantics<core_parallel>, #tpu.dimension_semantics<subcore_parallel>], iteration_bounds = array<i64: 2, 16>, scalar_prefetch = 0 : i64, scratch_operands = 6 : i64, tpu.core_type = #tpu.core_type<sc_vector_subcore>, window_params = [{transform_indices = #map}, {transform_indices = #map}, {transform_indices = #map}, {transform_indices = #map1}]} {
    %mul3A = arith.constant 2 : i32
    %mul3A_0 = arith.muli %arg1, %mul3A : i32
    %add3A = arith.addi %mul3A_0, %arg0 : i32
    %mul3A_1 = arith.constant 32 : i32
    %mul3A_2 = arith.muli %add3A, %mul3A_1 : i32
    %dma_start3A = arith.constant 0 : i32
    %dma_start3A_3 = tpu.memref_slice %arg6[%dma_start3A] : memref<2000xf32, #tpu.memory_space<vmem>> -> memref<1000xf32, #tpu.memory_space<vmem>>
    %dma_start3A_4 = arith.constant 0 : i32
    %dma_start3A_5 = tpu.memref_slice %arg6[%dma_start3A_4] : memref<2000xf32, #tpu.memory_space<vmem>> -> memref<1000xf32, #tpu.memory_space<vmem>>
    tpu.enqueue_dma source(%arg3 : memref<1000xf32, #tpu.memory_space<hbm>>) target(%dma_start3A_5 : memref<1000xf32, #tpu.memory_space<vmem>>) target_semaphore(%arg10 : memref<!tpu.dma_semaphore, #tpu.memory_space<semaphore_mem>>)
    %dma_start3A_6 = arith.constant 1000 : i32
    %dma_start3A_7 = tpu.memref_slice %arg6[%dma_start3A_6] : memref<2000xf32, #tpu.memory_space<vmem>> -> memref<1000xf32, #tpu.memory_space<vmem>>
    %dma_start3A_8 = arith.constant 1000 : i32
    %dma_start3A_9 = tpu.memref_slice %arg6[%dma_start3A_8] : memref<2000xf32, #tpu.memory_space<vmem>> -> memref<1000xf32, #tpu.memory_space<vmem>>
    tpu.enqueue_dma source(%arg4 : memref<1000xf32, #tpu.memory_space<hbm>>) target(%dma_start3A_9 : memref<1000xf32, #tpu.memory_space<vmem>>) target_semaphore(%arg10 : memref<!tpu.dma_semaphore, #tpu.memory_space<semaphore_mem>>)
    %dma_start3A_10 = tpu.memref_slice %arg2[%mul3A_2] : memref<1024xi32, #tpu.memory_space<hbm>> -> memref<32xi32, #tpu.memory_space<hbm>>
    %dma_start3A_11 = tpu.memref_slice %arg2[%mul3A_2] : memref<1024xi32, #tpu.memory_space<hbm>> -> memref<32xi32, #tpu.memory_space<hbm>>
    tpu.enqueue_dma source(%dma_start3A_11 : memref<32xi32, #tpu.memory_space<hbm>>) target(%arg7 : memref<32xi32, #tpu.memory_space<vmem>>) target_semaphore(%arg11 : memref<!tpu.dma_semaphore, #tpu.memory_space<semaphore_mem>>)
    %dma_wait3A = arith.constant 0 : i32
    %dma_wait3A_12 = tpu.memref_slice %arg6[%dma_wait3A] : memref<2000xf32, #tpu.memory_space<vmem>> -> memref<1000xf32, #tpu.memory_space<vmem>>
    %dma_wait3A_13 = arith.constant 0 : i32
    %dma_wait3A_14 = tpu.memref_slice %arg6[%dma_wait3A_13] : memref<2000xf32, #tpu.memory_space<vmem>> -> memref<1000xf32, #tpu.memory_space<vmem>>
    tpu.wait_dma2 semaphore(%arg10 : memref<!tpu.dma_semaphore, #tpu.memory_space<semaphore_mem>>) src(%arg3 : memref<1000xf32, #tpu.memory_space<hbm>>) dst(%dma_wait3A_14 : memref<1000xf32, #tpu.memory_space<vmem>>)
    %dma_wait3A_15 = arith.constant 1000 : i32
    %dma_wait3A_16 = tpu.memref_slice %arg6[%dma_wait3A_15] : memref<2000xf32, #tpu.memory_space<vmem>> -> memref<1000xf32, #tpu.memory_space<vmem>>
    %dma_wait3A_17 = arith.constant 1000 : i32
    %dma_wait3A_18 = tpu.memref_slice %arg6[%dma_wait3A_17] : memref<2000xf32, #tpu.memory_space<vmem>> -> memref<1000xf32, #tpu.memory_space<vmem>>
    tpu.wait_dma2 semaphore(%arg10 : memref<!tpu.dma_semaphore, #tpu.memory_space<semaphore_mem>>) src(%arg4 : memref<1000xf32, #tpu.memory_space<hbm>>) dst(%dma_wait3A_18 : memref<1000xf32, #tpu.memory_space<vmem>>)
    %dma_wait3A_19 = tpu.memref_slice %arg2[%mul3A_2] : memref<1024xi32, #tpu.memory_space<hbm>> -> memref<32xi32, #tpu.memory_space<hbm>>
    %dma_wait3A_20 = tpu.memref_slice %arg2[%mul3A_2] : memref<1024xi32, #tpu.memory_space<hbm>> -> memref<32xi32, #tpu.memory_space<hbm>>
    tpu.wait_dma2 semaphore(%arg11 : memref<!tpu.dma_semaphore, #tpu.memory_space<semaphore_mem>>) src(%dma_wait3A_20 : memref<32xi32, #tpu.memory_space<hbm>>) dst(%arg7 : memref<32xi32, #tpu.memory_space<vmem>>)
    %get3A = arith.constant 0 : index
    %get3A_21 = tpu.vector_load %arg7[%get3A] {strides = array<i32>} : memref<32xi32, #tpu.memory_space<vmem>>, vector<16xi32>,
    %max3A = arith.constant 0 : i32
    %max3A_22 = vector.broadcast %max3A : i32 to vector<16xi32>
    %max3A_23 = arith.maxsi %get3A_21, %max3A_22 : vector<16xi32>
    %min3A = arith.constant 999 : i32
    %min3A_24 = vector.broadcast %min3A : i32 to vector<16xi32>
    %min3A_25 = arith.minsi %max3A_23, %min3A_24 : vector<16xi32>
    %gather3A = tpu.vector_load_idx %arg6[%min3A_25] : memref<2000xf32, #tpu.memory_space<vmem>>[vector<16xi32>], vector<16xf32>,
    %swap3A = arith.constant 0 : index
    %swap3A_26 = tpu.vector_load %arg8[%swap3A] {strides = array<i32>} : memref<32xf32, #tpu.memory_space<vmem>>, vector<16xf32>,
    tpu.vector_store %arg8[%swap3A], %gather3A {strides = array<i32>} : memref<32xf32, #tpu.memory_space<vmem>>, vector<16xf32>,
    %add3A_27 = arith.constant 1000 : i32
    %add3A_28 = vector.broadcast %add3A_27 : i32 to vector<16xi32>
    %add3A_29 = arith.addi %min3A_25, %add3A_28 : vector<16xi32>
    %gather3A_30 = tpu.vector_load_idx %arg6[%add3A_29] : memref<2000xf32, #tpu.memory_space<vmem>>[vector<16xi32>], vector<16xf32>,
    %swap3A_31 = arith.constant 0 : index
    %swap3A_32 = tpu.vector_load %arg9[%swap3A_31] {strides = array<i32>} : memref<32xf32, #tpu.memory_space<vmem>>, vector<16xf32>,
    tpu.vector_store %arg9[%swap3A_31], %gather3A_30 {strides = array<i32>} : memref<32xf32, #tpu.memory_space<vmem>>, vector<16xf32>,
    %get3A_33 = arith.constant 16 : index
    %get3A_34 = tpu.vector_load %arg7[%get3A_33] {strides = array<i32>} : memref<32xi32, #tpu.memory_space<vmem>>, vector<16xi32>,
    %max3A_35 = arith.constant 0 : i32
    %max3A_36 = vector.broadcast %max3A_35 : i32 to vector<16xi32>
    %max3A_37 = arith.maxsi %get3A_34, %max3A_36 : vector<16xi32>
    %min3A_38 = arith.constant 999 : i32
    %min3A_39 = vector.broadcast %min3A_38 : i32 to vector<16xi32>
    %min3A_40 = arith.minsi %max3A_37, %min3A_39 : vector<16xi32>
    %gather3A_41 = tpu.vector_load_idx %arg6[%min3A_40] : memref<2000xf32, #tpu.memory_space<vmem>>[vector<16xi32>], vector<16xf32>,
    %swap3A_42 = arith.constant 16 : index
    %swap3A_43 = tpu.vector_load %arg8[%swap3A_42] {strides = array<i32>} : memref<32xf32, #tpu.memory_space<vmem>>, vector<16xf32>,
    tpu.vector_store %arg8[%swap3A_42], %gather3A_41 {strides = array<i32>} : memref<32xf32, #tpu.memory_space<vmem>>, vector<16xf32>,
    %add3A_44 = arith.constant 1000 : i32
    %add3A_45 = vector.broadcast %add3A_44 : i32 to vector<16xi32>
    %add3A_46 = arith.addi %min3A_40, %add3A_45 : vector<16xi32>
    %gather3A_47 = tpu.vector_load_idx %arg6[%add3A_46] : memref<2000xf32, #tpu.memory_space<vmem>>[vector<16xi32>], vector<16xf32>,
    %swap3A_48 = arith.constant 16 : index
    %swap3A_49 = tpu.vector_load %arg9[%swap3A_48] {strides = array<i32>} : memref<32xf32, #tpu.memory_space<vmem>>, vector<16xf32>,
    tpu.vector_store %arg9[%swap3A_48], %gather3A_47 {strides = array<i32>} : memref<32xf32, #tpu.memory_space<vmem>>, vector<16xf32>,
    %dma_start3A_50 = arith.constant 0 : i32
    %dma_start3A_51 = tpu.memref_slice %arg5[%dma_start3A_50, %mul3A_2] : memref<2x1024xf32, #tpu.memory_space<hbm>> -> memref<1x32xf32, #tpu.memory_space<hbm>>
    %dma_start3A_52 = tpu.memref_squeeze %dma_start3A_51 : memref<1x32xf32, #tpu.memory_space<hbm>> -> memref<32xf32, #tpu.memory_space<hbm>>
    %dma_start3A_53 = tpu.memref_slice %arg5[%dma_start3A_50, %mul3A_2] : memref<2x1024xf32, #tpu.memory_space<hbm>> -> memref<1x32xf32, #tpu.memory_space<hbm>>
    %dma_start3A_54 = tpu.memref_squeeze %dma_start3A_53 : memref<1x32xf32, #tpu.memory_space<hbm>> -> memref<32xf32, #tpu.memory_space<hbm>>
    tpu.enqueue_dma source(%arg8 : memref<32xf32, #tpu.memory_space<vmem>>) target(%dma_start3A_54 : memref<32xf32, #tpu.memory_space<hbm>>) target_semaphore(%arg10 : memref<!tpu.dma_semaphore, #tpu.memory_space<semaphore_mem>>)
    %dma_start3A_55 = arith.constant 1 : i32
    %dma_start3A_56 = tpu.memref_slice %arg5[%dma_start3A_55, %mul3A_2] : memref<2x1024xf32, #tpu.memory_space<hbm>> -> memref<1x32xf32, #tpu.memory_space<hbm>>
    %dma_start3A_57 = tpu.memref_squeeze %dma_start3A_56 : memref<1x32xf32, #tpu.memory_space<hbm>> -> memref<32xf32, #tpu.memory_space<hbm>>
    %dma_start3A_58 = tpu.memref_slice %arg5[%dma_start3A_55, %mul3A_2] : memref<2x1024xf32, #tpu.memory_space<hbm>> -> memref<1x32xf32, #tpu.memory_space<hbm>>
    %dma_start3A_59 = tpu.memref_squeeze %dma_start3A_58 : memref<1x32xf32, #tpu.memory_space<hbm>> -> memref<32xf32, #tpu.memory_space<hbm>>
    tpu.enqueue_dma source(%arg9 : memref<32xf32, #tpu.memory_space<vmem>>) target(%dma_start3A_59 : memref<32xf32, #tpu.memory_space<hbm>>) target_semaphore(%arg11 : memref<!tpu.dma_semaphore, #tpu.memory_space<semaphore_mem>>)
    %dma_wait3A_60 = arith.constant 0 : i32
    %dma_wait3A_61 = tpu.memref_slice %arg5[%dma_wait3A_60, %mul3A_2] : memref<2x1024xf32, #tpu.memory_space<hbm>> -> memref<1x32xf32, #tpu.memory_space<hbm>>
    %dma_wait3A_62 = tpu.memref_squeeze %dma_wait3A_61 : memref<1x32xf32, #tpu.memory_space<hbm>> -> memref<32xf32, #tpu.memory_space<hbm>>
    %dma_wait3A_63 = tpu.memref_slice %arg5[%dma_wait3A_60, %mul3A_2] : memref<2x1024xf32, #tpu.memory_space<hbm>> -> memref<1x32xf32, #tpu.memory_space<hbm>>
    %dma_wait3A_64 = tpu.memref_squeeze %dma_wait3A_63 : memref<1x32xf32, #tpu.memory_space<hbm>> -> memref<32xf32, #tpu.memory_space<hbm>>
    tpu.wait_dma2 semaphore(%arg10 : memref<!tpu.dma_semaphore, #tpu.memory_space<semaphore_mem>>) src(%arg8 : memref<32xf32, #tpu.memory_space<vmem>>) dst(%dma_wait3A_64 : memref<32xf32, #tpu.memory_space<hbm>>)
    %dma_wait3A_65 = arith.constant 1 : i32
    %dma_wait3A_66 = tpu.memref_slice %arg5[%dma_wait3A_65, %mul3A_2] : memref<2x1024xf32, #tpu.memory_space<hbm>> -> memref<1x32xf32, #tpu.memory_space<hbm>>
    %dma_wait3A_67 = tpu.memref_squeeze %dma_wait3A_66 : memref<1x32xf32, #tpu.memory_space<hbm>> -> memref<32xf32, #tpu.memory_space<hbm>>
    %dma_wait3A_68 = tpu.memref_slice %arg5[%dma_wait3A_65, %mul3A_2] : memref<2x1024xf32, #tpu.memory_space<hbm>> -> memref<1x32xf32, #tpu.memory_space<hbm>>
    %dma_wait3A_69 = tpu.memref_squeeze %dma_wait3A_68 : memref<1x32xf32, #tpu.memory_space<hbm>> -> memref<32xf32, #tpu.memory_space<hbm>>
    tpu.wait_dma2 semaphore(%arg11 : memref<!tpu.dma_semaphore, #tpu.memory_space<semaphore_mem>>) src(%arg9 : memref<32xf32, #tpu.memory_space<vmem>>) dst(%dma_wait3A_69 : memref<32xf32, #tpu.memory_space<hbm>>)
    return
  }
}

module attributes {stable_mosaic.version = 14 : i64} {
  func.func @_tc_combine_body(%arg0: i32, %arg1: memref<2x1024xf32, #tpu.memory_space<vmem>>, %arg2: memref<1024x1024xf32, #tpu.memory_space<vmem>>, %arg3: memref<1024x1024xf32, #tpu.memory_space<vmem>>, %arg4: memref<1024x1024xf32, #tpu.memory_space<vmem>>) attributes {dimension_semantics = [#tpu.dimension_semantics<arbitrary>], iteration_bounds = array<i64: 16>, scalar_prefetch = 0 : i64, scratch_operands = 0 : i64, tpu.core_type = #tpu.core_type<tc>, window_params = [{pipeline_mode = #tpu.pipeline_mode<synchronous>, transform_indices = @transform_0, window_bounds = array<i64: 2, 1024>}, {transform_indices = @transform_1, window_bounds = array<i64: 1024, 1024>}, {transform_indices = @transform_2, window_bounds = array<i64: 1024, 1024>}, {transform_indices = @transform_3, window_bounds = array<i64: 1024, 1024>}]} {
    %get3A = arith.constant 0 : index
    %get3A_0 = arith.constant 0 : index
    %get3A_1 = vector.load %arg1[%get3A, %get3A_0] : memref<2x1024xf32, #tpu.memory_space<vmem>>, vector<1x1024xf32>
    %get3A_2 = arith.constant 0 : index
    %get3A_3 = arith.constant 0 : index
    %get3A_4 = vector.load %arg2[%get3A_2, %get3A_3] : memref<1024x1024xf32, #tpu.memory_space<vmem>>, vector<1024x1024xf32>
    %mul3A = vector.broadcast %get3A_1 : vector<1x1024xf32> to vector<1024x1024xf32>
    %mul3A_5 = arith.mulf %mul3A, %get3A_4 : vector<1024x1024xf32>
    %get3A_6 = arith.constant 1 : index
    %get3A_7 = arith.constant 0 : index
    %get3A_8 = vector.load %arg1[%get3A_6, %get3A_7] : memref<2x1024xf32, #tpu.memory_space<vmem>>, vector<1x1024xf32>
    %get3A_9 = arith.constant 0 : index
    %get3A_10 = arith.constant 0 : index
    %get3A_11 = vector.load %arg3[%get3A_9, %get3A_10] : memref<1024x1024xf32, #tpu.memory_space<vmem>>, vector<1024x1024xf32>
    %mul3A_12 = vector.broadcast %get3A_8 : vector<1x1024xf32> to vector<1024x1024xf32>
    %mul3A_13 = arith.mulf %mul3A_12, %get3A_11 : vector<1024x1024xf32>
    %add3A = arith.addf %mul3A_5, %mul3A_13 : vector<1024x1024xf32>
    %swap3A = arith.constant 0 : index
    %swap3A_14 = arith.constant 0 : index
    %swap3A_15 = vector.load %arg4[%swap3A, %swap3A_14] : memref<1024x1024xf32, #tpu.memory_space<vmem>>, vector<1024x1024xf32>
    tpu.vector_store %arg4[%swap3A, %swap3A_14], %add3A {strides = array<i32>} : memref<1024x1024xf32, #tpu.memory_space<vmem>>, vector<1024x1024xf32>,
    return
  }
  func.func @transform_0(%arg0: i32) -> (i32, i32) {
    %c0_i32 = arith.constant 0 : i32
    %c0_i32_0 = arith.constant 0 : i32
    %c0_i32_1 = arith.constant 0 : i32
    return %c0_i32, %c0_i32_0 : i32, i32
  }
  func.func @transform_1(%arg0: i32) -> (i32, i32) {
    %c0_i32 = arith.constant 0 : i32
    %c0_i32_0 = arith.constant 0 : i32
    return %arg0, %c0_i32 : i32, i32
  }
  func.func @transform_2(%arg0: i32) -> (i32, i32) {
    %c0_i32 = arith.constant 0 : i32
    %c0_i32_0 = arith.constant 0 : i32
    return %arg0, %c0_i32 : i32, i32
  }
  func.func @transform_3(%arg0: i32) -> (i32, i32) {
    %c0_i32 = arith.constant 0 : i32
    %c0_i32_0 = arith.constant 0 : i32
    return %arg0, %c0_i32 : i32, i32
  }
}

</mosaic_0001>

<sc_bundles>
// kernel: kernel.4.cloned.1.call-start
scs
__scs_entry_jumppad:
0x0: {  	(pc) =	sbr.rel $0x88, $3  }
0x1: {  	(tag) =	ssettag $0x0;
	lr =	simm.s32 $0x1  }
0x2: {  	[smem:$0x3F9C] =	sst lr;
	_ =	strace $0xD0000000  }
0x3: {  	_ = 	snop  }
0x4: {  	_ = 	snop  }
0x5: {  	_ = 	snop  }
0x6: {  	_ = 	snop  }
0x7: {  	_ = 	snop  }
__scs_overlays_trampoline_lowered:
0x8: {  	[smem:$0x3FAB] =	sst s0  }
0x9: {  	[smem:$0x3FAC] =	sst s1  }
0xa: {  	[smem:$0x3FAD] =	sst s2  }
0xb: {  	[smem:$0x3FAE] =	sst s3  }
0xc: {  	[smem:$0x3FAF] =	sst s4  }
0xd: {  	[smem:$0x3FB0] =	sst s5  }
0xe: {  	[smem:$0x3FB1] =	sst s6  }
0xf: {  	[smem:$0x3FB2] =	sst s7  }
0x10: {  	[smem:$0x3FB3] =	sst s8  }
0x11: {  	[smem:$0x3FB4] =	sst s9;
	s0 =	simm.s32 @!p0 $0x0  }
0x12: {  	s1 =	sld [smem:$0x3F9A];
	s0 =	simm.s32 @p0 $0x1  }
0x13: {  	[smem:$0x3FB5] =	sst s0;
	s0 =	simm.s32 @!p1 $0x0  }
0x14: {  	s2 =	sld [smem:$0x3F99];
	s0 =	simm.s32 @p1 $0x1  }
0x15: {  	[smem:$0x3FB6] =	sst s0;
	s0 =	simm.s32 @!p2 $0x0  }
0x16: {  	s3 =	sld [smem:$0x3FDB];
	s0 =	simm.s32 @p2 $0x1  }
0x17: {  	s4 =	simm.s32 $0x1BF5;
	[smem:$0x3FB8] =	sst s0  }
0x18: {  	s0 =	sld [smem:$0x3F9B];
	_ =	swait.ge [sflag:s4], $0x0  }
0x19: {  	s7 =	sld [smem:$0x3F9C]  }
0x1a: {  	s8 =	sadd.s32 $0xFFFFE003, lr  }
0x1b: {  	s9 =	sadd.s32 $0xFFFFFEF7, lr;
	s5 =	simm.s32 $0xFFFFFFFF;
	p2 =	slt.u32 s8, $0xFFFFF086  }
0x1c: {  	p1 =	slt.u32 s9, $0xF7A;
	s5 =	simm.s32 @!p2 $0x0  }
0x1d: {  	s5 =	simm.s32 @p1 $0x1;
	p0 =	seq.s32 s7, s2  }
0x1e: {  	s7 =	smul.u32 @!p0 $0xF7A, s2;
	p2 =	seq.s32 @!p0 s5, $0x0  }
0x1f: {  	s9 =	smul.u32 $0xF7A, s1;
	s8 =	simm.s32 @!p0 $0x1BF5;
	p2 =	por !p2, p0  }
0x20: {  	[sflag:s8] =	ssyncset.s32 @!p0 $0xFFFFF086;
	s6 =	sadd.s32 @!p0 s3, s7;
	s7 =	simm.s32 @!p0 $0x108  }
0x21: {  	s3 =	sadd.s32 s3, s9;
	s6 =	sadd.s32 @!p0 $0x88, s6;
	s7 =	simm.s32 @p2 $0x1082  }
0x22: {  	[simem:s7], [sflag:s8] =	dma.local @!p0 [hbm:s6], $0xF7A  }
0x23: {  	s9 =	sor.u32 $0xD0000000, s2;
	s6 =	simm.s32 $0x108;
	_ =	swait.ge @!p0 [sflag:s8], $0x0  }
0x24: {  	s3 =	sadd.s32 $0x88, s3;
	s6 =	simm.s32 @!p1 $0x1082;
	[sflag:s4] =	ssyncset.s32 $0xFFFFF086  }
0x25: {  	[simem:s6], [sflag:s4] =	dma.local [hbm:s3], $0xF7A  }
0x26: {  	[smem:$0x3F9C] =	sst s1;
	(tag) =	ssettag s2;
	_ =	strace s9  }
0x27: {  	s1 =	sld [smem:$0x3FAC]  }
0x28: {  	s2 =	sld [smem:$0x3FAD]  }
0x29: {  	s4 =	sld [smem:$0x3FAF]  }
0x2a: {  	p0 =	seq.s32 s5, $0x0;
	s5 =	sld [smem:$0x3FB0]  }
0x2b: {  	s6 =	sld [smem:$0x3FB1]  }
0x2c: {  	s7 =	sld [smem:$0x3FB2]  }
0x2d: {  	s3 =	simm.s32 $0x108;
	s8 =	sld [smem:$0x3FB3]  }
0x2e: {  	s3 =	simm.s32 @!p0 $0x1082;
	s9 =	sld [smem:$0x3FB4]  }
0x2f: {  	lr =	sadd.s32 s0, s3;
	s0 =	sld [smem:$0x3FAB]  }
0x30: {  	s3 =	sld [smem:$0x3FAE]  }
0x31: {  	[smem:$0x3FB7] =	sst s10  }
0x32: {  	s10 =	sld [smem:$0x3FB5];
	_ =	sdelay $0x3  }
0x33: {  	p0 =	seq.s32 s10, $0x1;
	s10 =	sld [smem:$0x3FB7];
	_ =	sdelay $0x3  }
0x34: {  	[smem:$0x3FB7] =	sst s10  }
0x35: {  	s10 =	sld [smem:$0x3FB6];
	_ =	sdelay $0x3  }
0x36: {  	p1 =	seq.s32 s10, $0x1;
	s10 =	sld [smem:$0x3FB7];
	_ =	sdelay $0x3  }
0x37: {  	[smem:$0x3FB7] =	sst s10  }
0x38: {  	s10 =	sld [smem:$0x3FB8]  }
0x39: {  	_ = 	snop;
	(pc) =	sbr.ind lr, $3  }
0x3a: {  	_ = 	snop  }
0x3b: {  	_ = 	snop  }
0x3c: {  	p2 =	seq.s32 s10, $0x1;
	s10 =	sld [smem:$0x3FB7]  }
0x3d: {  	_ =	shalt  }
0x3e: {  	_ =	shalt  }
0x3f: {  	_ =	shalt  }
0x40: {  	_ =	shalt  }
0x41: {  	_ =	shalt  }
0x42: {  	_ =	shalt  }
0x43: {  	_ =	shalt  }
0x44: {  	_ =	shalt  }
0x45: {  	_ =	shalt  }
0x46: {  	_ =	shalt  }
0x47: {  	_ =	shalt  }
0x48: {  	_ =	shalt  }
0x49: {  	_ =	shalt  }
0x4a: {  	_ =	shalt  }
0x4b: {  	_ =	shalt  }
0x4c: {  	_ =	shalt  }
0x4d: {  	_ =	shalt  }
0x4e: {  	_ =	shalt  }
0x4f: {  	_ =	shalt  }
0x50: {  	_ =	shalt  }
0x51: {  	_ =	shalt  }
0x52: {  	_ =	shalt  }
0x53: {  	_ =	shalt  }
0x54: {  	_ =	shalt  }
0x55: {  	_ =	shalt  }
0x56: {  	_ =	shalt  }
0x57: {  	_ =	shalt  }
0x58: {  	_ =	shalt  }
0x59: {  	_ =	shalt  }
0x5a: {  	_ =	shalt  }
0x5b: {  	_ =	shalt  }
0x5c: {  	_ =	shalt  }
0x5d: {  	_ =	shalt  }
0x5e: {  	_ =	shalt  }
0x5f: {  	_ =	shalt  }
0x60: {  	_ =	shalt  }
0x61: {  	_ =	shalt  }
0x62: {  	_ =	shalt  }
0x63: {  	_ =	shalt  }
0x64: {  	_ =	shalt  }
0x65: {  	_ =	shalt  }
0x66: {  	_ =	shalt  }
0x67: {  	_ =	shalt  }
0x68: {  	_ =	shalt  }
0x69: {  	_ =	shalt  }
0x6a: {  	_ =	shalt  }
0x6b: {  	_ =	shalt  }
0x6c: {  	_ =	shalt  }
0x6d: {  	_ =	shalt  }
0x6e: {  	_ =	shalt  }
0x6f: {  	_ =	shalt  }
0x70: {  	_ =	shalt  }
0x71: {  	_ =	shalt  }
0x72: {  	_ =	shalt  }
0x73: {  	_ =	shalt  }
0x74: {  	_ =	shalt  }
0x75: {  	_ =	shalt  }
0x76: {  	_ =	shalt  }
0x77: {  	_ =	shalt  }
0x78: {  	_ =	shalt  }
0x79: {  	_ =	shalt  }
0x7a: {  	_ =	shalt  }
0x7b: {  	_ =	shalt  }
0x7c: {  	_ =	shalt  }
0x7d: {  	_ =	shalt  }
0x7e: {  	_ =	shalt  }
0x7f: {  	_ =	shalt  }
0x80: {  	_ =	shalt  }
0x81: {  	_ =	shalt  }
0x82: {  	_ =	shalt  }
0x83: {  	_ =	shalt  }
0x84: {  	_ =	shalt  }
0x85: {  	_ =	shalt  }
0x86: {  	_ =	shalt  }
0x87: {  	_ =	shalt  }
.Lfunc_end0:
.L_simem_size_0:
called_computation_lowered:
.L_overlay_start_0:
0x88: {  	s2 =	sld [smem:$0x3FD9]  }
0x89: {  	s3 =	sld [smem:$0x3FFE];
	_ =	sdelay $0x1  }
0x8a: {  	s1 =	srdreg.scid  }
0x8b: {  	s0 =	sand.u32 $0x1, s1  }
0x8c: {  	s15 =	sshll.u32 s0, $0xA;
	s2 =	sadd.s32 s3, s2  }
0x8d: {  	s2 =	sadd.s32 s2, s15  }
0x8e: {  	[smem:$0x3FC3] =	sst s2  }
0x8f: {  	_ = 	snop  }
0x90: {  	s2 =	sld [smem:$0x3FD0]  }
0x91: {  	s16 =	sld [smem:$0x3FC7]  }
0x92: {  	s4 =	sld [smem:$0x3FC6]  }
0x93: {  	s6 =	simm.s32 $0xA;
	s7 =	simm.s32 $0x10;
	s5 =	sld [smem:$0x3FC5]  }
0x94: {  	[smem:s7], [sflag:s6] =	dma.local [hbm:s2], $0x1  }
0x95: {  	_ =	swait.eq [sflag:s6], $0x1  }
0x96: {  	[sflag:s6] =	ssyncset.done $0x0  }
0x97: {  	[sflag:s6] =	ssyncadd.s32 $0xFFFFFFFF  }
0x98: {  	s17 =	sld [smem:$0x11];
	(tm) =	ssettm $0x1  }
0x99: {  	s18 =	sld [smem:$0x3FFB];
	_ =	sdelay $0x3  }
0x9a: {  	_ =	strace s18  }
0x9b: {  	s6 =	sld [smem:$0x3FFC];
	_ =	sdelay $0x3  }
0x9c: {  	_ =	strace s6  }
0x9d: {  	s6 =	sld [smem:$0x3FFD];
	_ =	sdelay $0x3  }
0x9e: {  	_ =	strace s6  }
0x9f: {  	_ =	strace $0x8FFFFFFF  }
0xa0: {  	s19 =	sld [smem:$0x3FDB];
	_ =	sdelay $0x1  }
0xa1: {  	s20 =	simm.s32 $_scs_section_size  }
0xa2: {  	s8 =	simm.s32 $_size__tile_overlayer_lowered;
	s9 =	simm.s32 $_tile_overlayer_lowered  }
0xa3: {  	s23 =	simm.s32 $0x1BFF;
	s22 =	sshll.u32 s9, $0x1;
	s6 =	sadd.s32 s20, s19  }
0xa4: {  	s10 =	simm.s32 $0x0;
	s21 =	sshll.u32 s8, $0x1;
	s8 =	sadd.s32 s22, s6  }
0xa5: {  	[timem:s10], [sflag:s23] =	dma.local [hbm:s8], s21  }
0xa6: {  	_ =	swait.ge [sflag:s23], s21  }
0xa7: {  	s7 =	ssub.s32 $0x0, s21;
	[sflag:s23] =	ssyncset.done $0x0  }
0xa8: {  	[sflag:s23] =	ssyncadd.s32 s7;
	_ =	sdelay $0x1  }
0xa9: {  	s24 =	simm.s32 $0x1B8B  }
0xaa: {  	_ =	swait.ge [sflag:s24], $0x1  }
0xab: {  	[sflag:s24] =	ssyncset.done $0x0  }
0xac: {  	s25 =	simm.s32 $0x1B8E;
	[sflag:s24] =	ssyncadd.s32 $0xFFFFFFFF  }
0xad: {  	s26 =	simm.s32 $execute0_lowered;
	[smem:$0x3FD2] =	sst s25  }
0xae: {  	s7 =	sshll.u32 s26, $0x1;
	_ =	strace $0x80000046;
	[dreg:$0x1] =	wrdreg $0xFFFFFFFF  }
0xaf: {  	s28 =	simm.s32 $_size_execute0_lowered;
	s6 =	sadd.s32 s6, s7;
	[dreg:$0x0] =	wrdreg $0x0  }
0xb0: {  	s7 =	sshll.u32 s28, $0x1;
	[dreg:$0x2] =	wrdreg s6  }
0xb1: {  	[dreg:$0x3] =	wrdreg s7  }
0xb2: {  	[dreg:$0x4] =	wrdreg $0xC0  }
0xb3: {  	_ =	task [dreg:s10], $0x5FFFF  }
0xb4: {  	[dreg:$0x1] =	wrdreg $0xFFFFFFFF  }
0xb5: {  	[dreg:$0x0] =	wrdreg $0x60  }
0xb6: {  	[dreg:$0x2] =	wrdreg s16  }
0xb7: {  	[dreg:$0x3] =	wrdreg s4  }
0xb8: {  	[dreg:$0x4] =	wrdreg s5  }
0xb9: {  	[dreg:$0x5] =	wrdreg s17  }
0xba: {  	[dreg:$0x6] =	wrdreg $0x9  }
0xbb: {  	_ =	task.clear_ibuf [dreg:s10], $0x7FFFF;
	_ =	strace $0x90000046  }
0xbc: {  	s29 =	simm.s32 $0x9;
	_ =	strace $0x80000048  }
0xbd: {  	_ =	swait.ge [sflag:s29], $0x1  }
0xbe: {  	[sflag:s29] =	ssyncadd.s32 $0xFFFFFFFF  }
0xbf: {  	_ =	strace $0x90000048  }
0xc0: {  	_ =	sfence  }
0xc1: {  	s30 =	sld [smem:$0x0];
	_ =	sdelay $0x2  }
0xc2: {  	s31 =	sshll.u32 s1, $0xD;
	s1 =	sshrl.u32 s1, $0x2  }
0xc3: {  	s3 =	sand.u32 $0x4000, s31;
	s1 =	sadd.s32 s1, s30  }
0xc4: {  	s0 =	sor.u32 s3, s0;
	s1 =	sshll.u32 s1, $0x11  }
0xc5: {  	s0 =	sor.u32 s1, s0  }
0xc6: {  	s0 =	sadd.s32 $0x8F2B, s0  }
0xc7: {  	[sflag:s0] =	ssyncadd.remote.s32 $0x1  }
0xc8: {  	_ =	sfence.sel $0xFFFF  }
0xc9: {  	[dreg:$0x0] =	wrdreg $0xFFFFFFFF;
	(pc) =	sbr.abs _section_cstart, $3  }
0xca: {  	[dreg:$0x1] =	wrdreg $0xFFFFFFFF  }
0xcb: {  	_ =	task.clear_ibuf [dreg:s10], $0x2FFFF;
	_ =	strace $0x9FFFFFFF  }
0xcc: {  	(tm) =	ssettm $0x7FFFFFFF  }
0xcd: {  	_ =	shalt  }
tec
execute0_lowered:
.L_overlay_start_1:
0x0: {  	(tag) =	ssettag $0x1  }
0x1: {  	s6 =	rddreg [dreg:$0x0]  }
0x2: {  	s1 =	rddreg [dreg:$0x1]  }
0x3: {  	s3 =	rddreg [dreg:$0x2]  }
0x4: {  	s10 =	rddreg [dreg:$0x3];
	s5 =	srdreg.scid  }
0x5: {  	s4 =	simm.s32 $0x0;
	s2 =	stileid.u32;
	s12 =	sand.u32 $0x1, s5  }
0x6: {  	[smem:$0x7FF] =	sst s4;
	s31 =	sshll.u32 s2, $0x6;
	s7 =	sshll.u32 s12, $0x5  }
0x7: {  	s0 =	rddreg [dreg:$0x4];
	_ =	strace $0x80000047;
	s11 =	sor.u32 s7, s31  }
0x8: {  	[tilespmem:s4], [sflag:$0x1] =	stream.linear.gather [hbm4b:s1+s4], $0x3E8, $0x38;
	[tilespmem:$0x980] =	vst v63  }
0x9: {  	s5 =	simm.s32 $0x3E8;
	s7 =	sshrl.u32 s11, $0x3  }
0xa: {  	[tilespmem:s5], [sflag:$0x1] =	stream.linear.gather [hbm4b:s3+s4], $0x3E8, $0x38;
	[tilespmem:$0x980] =	vst v63  }
0xb: {  	s8 =	simm.s32 $0x1;
	s6 =	sadd.s32 s6, s7;
	s7 =	simm.s32 $0x800  }
0xc: {  	[tilespmem:s7], [sflag:$0x2] =	stream.linear.gather [hbm4b:s6+s4], $0x20, $0x38;
	[tilespmem:$0x980] =	vst v63  }
0xd: {  	_ =	swait.ge [sflag:s8], $0x3E8  }
0xe: {  	[sflag:s8] =	ssyncset.done $0x0  }
0xf: {  	[sflag:s8] =	ssyncadd.s32 $0xFFFFFC18  }
0x10: {  	_ =	swait.ge [sflag:s8], $0x3E8  }
0x11: {  	[sflag:s8] =	ssyncset.done $0x0  }
0x12: {  	s9 =	simm.s32 $0x2;
	[sflag:s8] =	ssyncadd.s32 $0xFFFFFC18  }
0x13: {  	_ =	swait.ge [sflag:s9], $0x20  }
0x14: {  	[sflag:s9] =	ssyncset.done $0x0  }
0x15: {  	[sflag:s9] =	ssyncadd.s32 $0xFFFFFFE0  }
0x16: {  	v0 =	vld [tilespmem:$0x800];
	_ =	sdelay $0x4  }
0x17: {  	vm0 =	vgt.s32 v0, $0x0  }
0x18: {  	v0 =	vnsel vm0, $0x0, v0  }
0x19: {  	v0 =	vmin.u32 v0, $0x3E7;
	_ =	sdelay $0x3  }
0x1a: {  	v2 =	vld [tilespmem:$0x810]  }
0x1b: {  	v1 =	vld.idx.msk [tilespmem:v0+s4+$0x0], $0xffff  }
0x1c: {  	v0 =	vadd.s32 $0x3E8, v0;
	_ =	sdelay $0x3  }
0x1d: {  	vm15 =	vgt.s32 v2, $0x0;
	[tilespmem:$0x880] =	vst v1  }
0x1e: {  	v63 =	vnsel vm15, $0x0, v2;
	v0 =	vld.idx.msk [tilespmem:v0+s4+$0x0], $0xffff  }
0x1f: {  	v1 =	vmin.u32 v63, $0x3E7;
	_ =	sdelay $0x3  }
0x20: {  	[tilespmem:$0x900] =	vst v0  }
0x21: {  	v0 =	vld.idx.msk [tilespmem:v1+s4+$0x0], $0xffff  }
0x22: {  	v1 =	vadd.s32 $0x3E8, v1;
	_ =	sdelay $0x3  }
0x23: {  	[tilespmem:$0x890] =	vst v0  }
0x24: {  	v0 =	vld.idx.msk [tilespmem:v1+s4+$0x0], $0xffff  }
0x25: {  	s13 =	sshll.u32 s2, $0x7  }
0x26: {  	s13 =	sand.u32 $0x700, s13;
	s14 =	ssub.s32 $0x2, s12;
	s11 =	sand.u32 $0x60, s11  }
0x27: {  	s15 =	sshrl.u32 s14, $0x1;
	s11 =	sor.u32 s13, s11  }
0x28: {  	s14 =	ssub.s32 s14, s15;
	s11 =	sshrl.u32 s11, $0x3  }
0x29: {  	s14 =	smax.u32 s14, $0x1;
	s10 =	sadd.s32 s10, s11;
	s11 =	simm.s32 $0x880;
	[tilespmem:$0x910] =	vst v0  }
0x2a: {  	[hbm4b:s10+s4] =	stream.linear.scatter [tilespmem:s11], [sflag:$0x1], $0x20, $0x38;
	[tilespmem:$0x980] =	vst v63  }
0x2b: {  	s13 =	simm.s32 $0x900;
	p0 =	sne.s32 s14, $0x1;
	s12 =	sadd.s32 $0x10, s10  }
0x2c: {  	[hbm4b:s12+s4] =	stream.linear.scatter [tilespmem:s13], [sflag:$0x2], $0x20, $0x38;
	[tilespmem:$0x980] =	vst v63  }
.Ltmp0:
0x2d: {  	_ =	swait.ge [sflag:s8], $0x20;
	(pc) =	sbr.rel @!p0 .LBB2_2-.Ltmp0, $4  }
0x2e: {  	[sflag:s8] =	ssyncset.done $0x0  }
0x2f: {  	[sflag:s8] =	ssyncadd.s32 $0xFFFFFFE0  }
0x30: {  	_ =	swait.ge [sflag:s9], $0x20  }
0x31: {  	s14 =	sadd.s32 $0xFFFFFFFF, s14;
	[sflag:s9] =	ssyncset.done $0x0  }
.LBB2_1:
0x32: {  	p0 =	sne.s32 s14, $0x1;
	s14 =	sadd.s32 $0xFFFFFFFF, s14;
	[sflag:s9] =	ssyncadd.s32 $0xFFFFFFE0  }
0x33: {  	[tilespmem:s4], [sflag:$0x1] =	stream.linear.gather [hbm4b:s1+s4], $0x3E8, $0x38;
	[tilespmem:$0x980] =	vst v63  }
0x34: {  	_ = 	snop  }
0x35: {  	[tilespmem:s5], [sflag:$0x1] =	stream.linear.gather [hbm4b:s3+s4], $0x3E8, $0x38;
	[tilespmem:$0x980] =	vst v63  }
0x36: {  	_ = 	snop  }
0x37: {  	[tilespmem:s7], [sflag:$0x2] =	stream.linear.gather [hbm4b:s6+s4], $0x20, $0x38;
	[tilespmem:$0x980] =	vst v63  }
0x38: {  	_ =	swait.ge [sflag:s8], $0x3E8  }
0x39: {  	[sflag:s8] =	ssyncset.done $0x0  }
0x3a: {  	[sflag:s8] =	ssyncadd.s32 $0xFFFFFC18  }
0x3b: {  	_ =	swait.ge [sflag:s8], $0x3E8  }
0x3c: {  	[sflag:s8] =	ssyncset.done $0x0  }
0x3d: {  	[sflag:s8] =	ssyncadd.s32 $0xFFFFFC18  }
0x3e: {  	_ =	swait.ge [sflag:s9], $0x20  }
0x3f: {  	[sflag:s9] =	ssyncset.done $0x0  }
0x40: {  	[sflag:s9] =	ssyncadd.s32 $0xFFFFFFE0  }
0x41: {  	v0 =	vld [tilespmem:$0x800];
	_ =	sdelay $0x4  }
0x42: {  	vm0 =	vgt.s32 v0, $0x0  }
0x43: {  	v0 =	vnsel vm0, $0x0, v0  }
0x44: {  	v0 =	vmin.u32 v0, $0x3E7;
	_ =	sdelay $0x4  }
0x45: {  	v1 =	vld.idx.msk [tilespmem:v0+s4+$0x0], $0xffff;
	_ =	sdelay $0x1  }
0x46: {  	v0 =	vadd.s32 $0x3E8, v0;
	v2 =	vld [tilespmem:$0x810];
	_ =	sdelay $0x3  }
0x47: {  	[tilespmem:$0x880] =	vst v1  }
0x48: {  	v0 =	vld.idx.msk [tilespmem:v0+s4+$0x0], $0xffff;
	vm0 =	vgt.s32 v2, $0x0  }
0x49: {  	v1 =	vnsel vm0, $0x0, v2  }
0x4a: {  	v1 =	vmin.u32 v1, $0x3E7;
	_ =	sdelay $0x3  }
0x4b: {  	[tilespmem:$0x900] =	vst v0  }
0x4c: {  	v0 =	vld.idx.msk [tilespmem:v1+s4+$0x0], $0xffff;
	_ =	sdelay $0x1  }
0x4d: {  	v1 =	vadd.s32 $0x3E8, v1;
	_ =	sdelay $0x3  }
0x4e: {  	[tilespmem:$0x890] =	vst v0  }
0x4f: {  	v0 =	vld.idx.msk [tilespmem:v1+s4+$0x0], $0xffff;
	_ =	sdelay $0x5  }
0x50: {  	[tilespmem:$0x910] =	vst v0  }
0x51: {  	[hbm4b:s10+s4] =	stream.linear.scatter [tilespmem:s11], [sflag:$0x1], $0x20, $0x38;
	[tilespmem:$0x980] =	vst v63  }
0x52: {  	_ = 	snop  }
0x53: {  	[hbm4b:s12+s4] =	stream.linear.scatter [tilespmem:s13], [sflag:$0x2], $0x20, $0x38;
	[tilespmem:$0x980] =	vst v63  }
.Ltmp1:
0x54: {  	_ =	swait.ge [sflag:s8], $0x20;
	(pc) =	sbr.rel @p0 .LBB2_1-.Ltmp1, $4  }
0x55: {  	[sflag:s8] =	ssyncset.done $0x0  }
0x56: {  	[sflag:s8] =	ssyncadd.s32 $0xFFFFFFE0  }
0x57: {  	_ =	swait.ge [sflag:s9], $0x20  }
0x58: {  	[sflag:s9] =	ssyncset.done $0x0  }
.LBB2_2:
0x59: {  	[sflag:s9] =	ssyncadd.s32 $0xFFFFFFE0  }
0x5a: {  	_ =	sfence.sel $0x180000  }
0x5b: {  	[bflag:$0x0] =	sbarrier.arrive $0xFFFF  }
0x5c: {  	p0 =	sne.s32 s2, $0x0;
	_ =	strace $0x90000047  }
0x5d: {  	s0 =	sadd.s32 @!p0 $0x100000, s0;
	[bflag:$0x2] =	sbarrier.arrive $0xFFFF  }
0x5e: {  	[sflag:s0] =	ssyncadd.tile.s32 @!p0 $0x1;
	_ =	shalt  }
.Lfunc_end2:
_tile_overlayer_lowered:
.L_overlay_start_2:
0x5f: {  	(tag) =	ssettag $0x2  }
0x60: {  	s0 =	rddreg [dreg:$0x0];
	s2 =	stileid.u32  }
0x61: {  	s1 =	rddreg [dreg:$0x1];
	p0 =	sne.s32 s2, $0x0  }
0x62: {  	s3 =	rddreg [dreg:$0x2];
	[bflag:$0x3] =	sbarrier.arrive $0xFFFF;
	s2 =	simm.s32 @!p0 $0x1C03  }
0x63: {  	[timem:s3], [sflag:s2] =	dma.local @!p0 [hbm:s0], s1  }
0x64: {  	s0 =	simm.s32 @!p0 $0x3  }
0x65: {  	_ =	swait.ge @!p0 [sflag:s0], s1  }
0x66: {  	s1 =	ssub.s32 @!p0 $0x0, s1;
	[sflag:s0] =	ssyncset.done @!p0 $0x0  }
0x67: {  	[sflag:s0] =	ssyncadd.s32 @!p0 s1  }
0x68: {  	[bflag:$0x3] =	sbarrier.arrive $0xFFFF  }
0x69: {  	_ =	shalt  }

</sc_bundles>
